<compile_context>
chip_gen: v7x
topology: tpu7x:2x2x1
jax: 0.10.2.dev20260603
libtpu: 0.0.44.dev20260713+nightly
codegen_flags: <defaults>
</compile_context>

<pallas_src>
import functools

import jax
import jax.numpy as jnp
from jax import lax
from jax.experimental import pallas as pl
from jax.experimental.pallas import tpu as pltpu
from jax.experimental.pallas import tpu_sc as plsc

E = 320000
N_PTS = 10000
N_VIEWS = 500
NVP = 512
D = 128

NC = 2
NS = 16
NW = NC * NS
BPW = E // NW
C = 400

BE = 8000
NB = E // BE


def _sc_gather_pt(pt_tbl, pt_idx):
    mesh = plsc.VectorSubcoreMesh(core_axis_name="c", subcore_axis_name="s")

    @functools.partial(
        pl.kernel,
        mesh=mesh,
        out_type=jax.ShapeDtypeStruct((E, D), jnp.float32),
        scratch_types=[
            pltpu.VMEM((C,), jnp.int32),
            pltpu.VMEM((C, D), jnp.float32),
            pltpu.SemaphoreType.DMA,
        ],
    )
    def k(pt_hbm, pi_hbm, o_hbm, pi_v, rp_v, sem):
        wid = lax.axis_index("s") * NC + lax.axis_index("c")
        base = wid * BPW

        @pl.loop(0, BPW, step=C)
        def _(off):
            s = base + off
            pltpu.sync_copy(pi_hbm.at[pl.ds(s, C)], pi_v)
            pltpu.async_copy(pt_hbm.at[pi_v], rp_v, sem).wait()
            pltpu.sync_copy(rp_v, o_hbm.at[pl.ds(s, C)])

    return k(pt_tbl, pt_idx)


def _tc_body(v_ref, p_ref, ci_ref, iot_ref, w_ref, vw_ref, bg_ref, o_ref):
    vb = v_ref[...].astype(jnp.bfloat16)
    wb = w_ref[...].astype(jnp.bfloat16)
    acc = lax.dot_general(
        vb, wb, (((1,), (1,)), ((), ())),
        preferred_element_type=jnp.float32,
    )
    cam = ci_ref[0, 0, :].astype(jnp.int16)
    oh = jnp.where(cam[:, None] == iot_ref[...],
                   jnp.bfloat16(1), jnp.bfloat16(0))
    view = lax.dot_general(
        oh, vw_ref[...], (((1,), (0,)), ((), ())),
        preferred_element_type=jnp.float32,
    )
    o_ref[...] = (acc + view + p_ref[...] + bg_ref[...]) * 0.25


def kernel(values, scenepoint_features, view_features, global_features,
           cam_idx, pt_idx, W, b):
    pt_rows = _sc_gather_pt(scenepoint_features, pt_idx.astype(jnp.int32))

    ci3 = cam_idx.astype(jnp.int32).reshape(NB, 1, BE)
    iot = lax.iota(jnp.int16, NVP)[None, :]
    vw_pad = jnp.zeros((NVP, D), jnp.bfloat16).at[:N_VIEWS].set(
        view_features.astype(jnp.bfloat16))
    bg = (b + global_features)[None, :]

    out = pl.pallas_call(
        _tc_body,
        grid=(NB,),
        in_specs=[
            pl.BlockSpec((BE, D), lambda i: (i, 0)),
            pl.BlockSpec((BE, D), lambda i: (i, 0)),
            pl.BlockSpec((1, 1, BE), lambda i: (i, 0, 0)),
            pl.BlockSpec((1, NVP), lambda i: (0, 0)),
            pl.BlockSpec((D, D), lambda i: (0, 0)),
            pl.BlockSpec((NVP, D), lambda i: (0, 0)),
            pl.BlockSpec((1, D), lambda i: (0, 0)),
        ],
        out_specs=pl.BlockSpec((BE, D), lambda i: (i, 0)),
        out_shape=jax.ShapeDtypeStruct((E, D), jnp.float32),
    )(values, pt_rows, ci3, iot, W, vw_pad, bg)
    return out

# --- scband reference (transcript-rebuilt; emitter-appended) ---
"""Pipeline reference for scband-set-of-set-projection-feature-update-33088428049082 (READ-ONLY COPY).

The authoritative reference and input builder live on the scoring server;
editing this copy changes nothing except your own understanding.
"""

import jax, jax.numpy as jnp
import numpy as np

E = 320000
N_PTS = 10000
N_VIEWS = 500
D_IN = 128
D_OUT = 128

def setup_inputs(seed: int = 0) -> dict:
    key = jax.random.key(seed)
    k1, k2, k3, k4, k5, k6, k7, k8 = jax.random.split(key, 8)
    values = jax.random.normal(k1, (E, D_IN), dtype=jnp.float32)
    scenepoint_features = jax.random.normal(k2, (N_PTS, D_OUT), dtype=jnp.float32)
    view_features = jax.random.normal(k3, (N_VIEWS, D_OUT), dtype=jnp.float32)
    global_features = jax.random.normal(k4, (D_OUT,), dtype=jnp.float32)
    cam_idx = jax.random.randint(k5, (E,), 0, N_VIEWS, dtype=jnp.int64 if jax.config.jax_enable_x64 else jnp.int32)
    pt_idx = jax.random.randint(k6, (E,), 0, N_PTS, dtype=jnp.int64 if jax.config.jax_enable_x64 else jnp.int32)
    # learned params of Linear(d_in, d_out)
    bound = 1.0 / np.sqrt(D_IN)
    W = jax.random.uniform(k7, (D_OUT, D_IN), minval=-bound, maxval=bound, dtype=jnp.float32)
    b = jax.random.uniform(k8, (D_OUT,), minval=-bound, maxval=bound, dtype=jnp.float32)
    return {
        'values': values,
        'scenepoint_features': scenepoint_features,
        'view_features': view_features,
        'global_features': global_features,
        'cam_idx': cam_idx,
        'pt_idx': pt_idx,
        'W': W,
        'b': b,
    }

def reference(values, scenepoint_features, view_features, global_features, cam_idx, pt_idx, W, b):
    # proj_features = self.lin_proj(x.values())
    proj_features = values @ W.T + b
    # gather per-nonzero point features (indices()[1]) and view features (indices()[0])
    pt_feats = jnp.take(scenepoint_features, pt_idx, axis=0)
    view_feats = jnp.take(view_features, cam_idx, axis=0)
    new_features = (proj_features + pt_feats + view_feats + global_features) / 4.0
    # SparseMat wrapper just carries (new_features, indices, cam_per_pts, pts_per_cam, shape);
    # the computed tensor payload is new_features.
    return new_features

if __name__ == "__main__":
    import jax
    _d = setup_inputs()
    print(jax.jit(kernel)(*tuple(_d.values())))

</pallas_src>

<mosaic_0001>
#map = affine_map<(d0, d1) -> (0, 0)>
#map1 = affine_map<(d0, d1) -> (0)>
module attributes {stable_mosaic.version = 14 : i64} {
  func.func @k(%arg0: i32, %arg1: i32, %arg2: memref<10000x128xf32, #tpu.memory_space<hbm>>, %arg3: memref<320000xi32, #tpu.memory_space<hbm>>, %arg4: memref<320000x128xf32, #tpu.memory_space<hbm>>, %arg5: memref<400xi32, #tpu.memory_space<vmem>>, %arg6: memref<400x128xf32, #tpu.memory_space<vmem>>, %arg7: memref<!tpu.dma_semaphore, #tpu.memory_space<semaphore_mem>>) attributes {dimension_semantics = [#tpu.dimension_semantics<core_parallel>, #tpu.dimension_semantics<subcore_parallel>], iteration_bounds = array<i64: 2, 16>, scalar_prefetch = 0 : i64, scratch_operands = 3 : i64, tpu.core_type = #tpu.core_type<sc_vector_subcore>, window_params = [{transform_indices = #map}, {transform_indices = #map1}, {transform_indices = #map}]} {
    %mul3A = arith.constant 2 : i32
    %mul3A_0 = arith.muli %arg1, %mul3A : i32
    %add3A = arith.addi %mul3A_0, %arg0 : i32
    %mul3A_1 = arith.constant 10000 : i32
    %mul3A_2 = arith.muli %add3A, %mul3A_1 : i32
    %scan3A = arith.constant 0 : i32
    %scan3A_3 = arith.constant 25 : i32
    %scan3A_4 = arith.addi %scan3A, %scan3A_3 : i32
    %scan3A_5 = arith.constant 1 : i32
    scf.for %scan3A_7 = %scan3A to %scan3A_4 step %scan3A_5  : i32 {
      %mul3A_8 = arith.constant 400 : i32
      %mul3A_9 = arith.muli %scan3A_7, %mul3A_8 : i32
      %add3A_10 = arith.constant 0 : i32
      %add3A_11 = arith.addi %add3A_10, %mul3A_9 : i32
      %add3A_12 = arith.addi %mul3A_2, %add3A_11 : i32
      "tpu.region"() ({
        %run_scoped3A = tpu.sem_alloc : memref<!tpu.dma_semaphore, #tpu.memory_space<semaphore_mem>>
        %dma_start3A_17 = tpu.memref_slice %arg3[%add3A_12] : memref<320000xi32, #tpu.memory_space<hbm>> -> memref<400xi32, #tpu.memory_space<hbm>>
        %dma_start3A_18 = tpu.memref_slice %arg3[%add3A_12] : memref<320000xi32, #tpu.memory_space<hbm>> -> memref<400xi32, #tpu.memory_space<hbm>>
        tpu.enqueue_dma source(%dma_start3A_18 : memref<400xi32, #tpu.memory_space<hbm>>) target(%arg5 : memref<400xi32, #tpu.memory_space<vmem>>) target_semaphore(%run_scoped3A : memref<!tpu.dma_semaphore, #tpu.memory_space<semaphore_mem>>)
        %dma_wait3A_19 = tpu.memref_slice %arg3[%add3A_12] : memref<320000xi32, #tpu.memory_space<hbm>> -> memref<400xi32, #tpu.memory_space<hbm>>
        %dma_wait3A_20 = tpu.memref_slice %arg3[%add3A_12] : memref<320000xi32, #tpu.memory_space<hbm>> -> memref<400xi32, #tpu.memory_space<hbm>>
        tpu.wait_dma2 semaphore(%run_scoped3A : memref<!tpu.dma_semaphore, #tpu.memory_space<semaphore_mem>>) src(%dma_wait3A_20 : memref<400xi32, #tpu.memory_space<hbm>>) dst(%arg5 : memref<400xi32, #tpu.memory_space<vmem>>)
        tpu.yield
      }) : () -> ()
      %dma_start3A = arith.constant 0 : i32
      %dma_start3A_13 = arith.constant 0 : i32
      %dma_start3A_14 = tpu.memref_slice %arg2[%dma_start3A, %dma_start3A_13] : memref<10000x128xf32, #tpu.memory_space<hbm>> -> memref<10000x128xf32, #tpu.memory_space<hbm>>
      tpu.enqueue_indirect_dma source(%dma_start3A_14 : memref<10000x128xf32, #tpu.memory_space<hbm>>) target(%arg6 : memref<400x128xf32, #tpu.memory_space<vmem>>) offsets(%arg5 : memref<400xi32, #tpu.memory_space<vmem>>) semaphore(%arg7 : memref<!tpu.dma_semaphore, #tpu.memory_space<semaphore_mem>>)
      %dma_wait3A = arith.constant 0 : i32
      %dma_wait3A_15 = arith.constant 0 : i32
      %dma_wait3A_16 = tpu.memref_slice %arg2[%dma_wait3A, %dma_wait3A_15] : memref<10000x128xf32, #tpu.memory_space<hbm>> -> memref<10000x128xf32, #tpu.memory_space<hbm>>
      tpu.wait_indirect_dma semaphore(%arg7 : memref<!tpu.dma_semaphore, #tpu.memory_space<semaphore_mem>>) src(%dma_wait3A_16 : memref<10000x128xf32, #tpu.memory_space<hbm>>) dst(%arg6 : memref<400x128xf32, #tpu.memory_space<vmem>>)
      "tpu.region"() ({
        %run_scoped3A = tpu.sem_alloc : memref<!tpu.dma_semaphore, #tpu.memory_space<semaphore_mem>>
        %dma_start3A_17 = arith.constant 0 : i32
        %dma_start3A_18 = tpu.memref_slice %arg4[%add3A_12, %dma_start3A_17] : memref<320000x128xf32, #tpu.memory_space<hbm>> -> memref<400x128xf32, #tpu.memory_space<hbm>>
        %dma_start3A_19 = arith.constant 0 : i32
        %dma_start3A_20 = tpu.memref_slice %arg4[%add3A_12, %dma_start3A_19] : memref<320000x128xf32, #tpu.memory_space<hbm>> -> memref<400x128xf32, #tpu.memory_space<hbm>>
        tpu.enqueue_dma source(%arg6 : memref<400x128xf32, #tpu.memory_space<vmem>>) target(%dma_start3A_20 : memref<400x128xf32, #tpu.memory_space<hbm>>) target_semaphore(%run_scoped3A : memref<!tpu.dma_semaphore, #tpu.memory_space<semaphore_mem>>)
        %dma_wait3A_21 = arith.constant 0 : i32
        %dma_wait3A_22 = tpu.memref_slice %arg4[%add3A_12, %dma_wait3A_21] : memref<320000x128xf32, #tpu.memory_space<hbm>> -> memref<400x128xf32, #tpu.memory_space<hbm>>
        %dma_wait3A_23 = arith.constant 0 : i32
        %dma_wait3A_24 = tpu.memref_slice %arg4[%add3A_12, %dma_wait3A_23] : memref<320000x128xf32, #tpu.memory_space<hbm>> -> memref<400x128xf32, #tpu.memory_space<hbm>>
        tpu.wait_dma2 semaphore(%run_scoped3A : memref<!tpu.dma_semaphore, #tpu.memory_space<semaphore_mem>>) src(%arg6 : memref<400x128xf32, #tpu.memory_space<vmem>>) dst(%dma_wait3A_24 : memref<400x128xf32, #tpu.memory_space<hbm>>)
        tpu.yield
      }) : () -> ()
    }
    %scan3A_6 = arith.constant 25 : i32
    return
  }
}

module attributes {stable_mosaic.version = 14 : i64} {
  func.func @_tc_body(%arg0: i32, %arg1: memref<8000x128xf32, #tpu.memory_space<vmem>>, %arg2: memref<8000x128xf32, #tpu.memory_space<vmem>>, %arg3: memref<1x1x8000xi32, #tpu.memory_space<vmem>>, %arg4: memref<1x512xi16, #tpu.memory_space<vmem>>, %arg5: memref<128x128xf32, #tpu.memory_space<vmem>>, %arg6: memref<512x128xbf16, #tpu.memory_space<vmem>>, %arg7: memref<1x128xf32, #tpu.memory_space<vmem>>, %arg8: memref<8000x128xf32, #tpu.memory_space<vmem>>) attributes {dimension_semantics = [#tpu.dimension_semantics<arbitrary>], iteration_bounds = array<i64: 40>, scalar_prefetch = 0 : i64, scratch_operands = 0 : i64, tpu.core_type = #tpu.core_type<tc>, window_params = [{transform_indices = @transform_0, window_bounds = array<i64: 8000, 128>}, {transform_indices = @transform_1, window_bounds = array<i64: 8000, 128>}, {transform_indices = @transform_2, window_bounds = array<i64: 1, 1, 8000>}, {pipeline_mode = #tpu.pipeline_mode<synchronous>, transform_indices = @transform_3, window_bounds = array<i64: 1, 512>}, {pipeline_mode = #tpu.pipeline_mode<synchronous>, transform_indices = @transform_4, window_bounds = array<i64: 128, 128>}, {pipeline_mode = #tpu.pipeline_mode<synchronous>, transform_indices = @transform_5, window_bounds = array<i64: 512, 128>}, {pipeline_mode = #tpu.pipeline_mode<synchronous>, transform_indices = @transform_6, window_bounds = array<i64: 1, 128>}, {transform_indices = @transform_7, window_bounds = array<i64: 8000, 128>}]} {
    %get3A = arith.constant 0 : index
    %get3A_0 = arith.constant 0 : index
    %get3A_1 = vector.load %arg1[%get3A, %get3A_0] : memref<8000x128xf32, #tpu.memory_space<vmem>>, vector<8000x128xf32>
    %convert_element_type3A = arith.truncf %get3A_1 : vector<8000x128xf32> to vector<8000x128xbf16>
    %get3A_2 = arith.constant 0 : index
    %get3A_3 = arith.constant 0 : index
    %get3A_4 = vector.load %arg5[%get3A_2, %get3A_3] : memref<128x128xf32, #tpu.memory_space<vmem>>, vector<128x128xf32>
    %convert_element_type3A_5 = arith.truncf %get3A_4 : vector<128x128xf32> to vector<128x128xbf16>
    %dot_general3A = arith.constant dense<0.000000e+00> : vector<8000x128xf32>
    %dot_general3A_6 = tpu.matmul %convert_element_type3A, %convert_element_type3A_5, %dot_general3A {dimension_numbers = #tpu.dot_dimension_numbers<[1], [1], [0], [0], [0, 0, 1, 0], [], []>, transpose_lhs_hint = false} : vector<8000x128xbf16>, vector<128x128xbf16>, vector<8000x128xf32> -> vector<8000x128xf32>
    %get3A_7 = arith.constant 0 : index
    %get3A_8 = arith.constant 0 : index
    %get3A_9 = arith.constant 0 : index
    %get3A_10 = vector.load %arg3[%get3A_7, %get3A_8, %get3A_9] : memref<1x1x8000xi32, #tpu.memory_space<vmem>>, vector<1x1x8000xi32>
    %get3A_11 = vector.shape_cast %get3A_10 : vector<1x1x8000xi32> to vector<8000xi32>
    %convert_element_type3A_12 = arith.trunci %get3A_11 : vector<8000xi32> to vector<8000xi16>
    %broadcast_in_dim3A = vector.shape_cast %convert_element_type3A_12 : vector<8000xi16> to vector<8000x1xi16>
    %get3A_13 = arith.constant 0 : index
    %get3A_14 = arith.constant 0 : index
    %get3A_15 = vector.load %arg4[%get3A_13, %get3A_14] : memref<1x512xi16, #tpu.memory_space<vmem>>, vector<1x512xi16>
    %eq3A = vector.broadcast %broadcast_in_dim3A : vector<8000x1xi16> to vector<8000x512xi16>
    %eq3A_16 = vector.broadcast %get3A_15 : vector<1x512xi16> to vector<8000x512xi16>
    %eq3A_17 = arith.cmpi eq, %eq3A, %eq3A_16 : vector<8000x512xi16>
    %jit3A = arith.constant 1.000000e+00 : bf16
    %jit3A_18 = arith.constant 0.000000e+00 : bf16
    %broadcast_in_dim3A_19 = vector.broadcast %jit3A : bf16 to vector<8000x512xbf16>
    %broadcast_in_dim3A_20 = vector.broadcast %jit3A_18 : bf16 to vector<8000x512xbf16>
    %select_n3A = arith.select %eq3A_17, %broadcast_in_dim3A_19, %broadcast_in_dim3A_20 : vector<8000x512xi1>, vector<8000x512xbf16>
    %get3A_21 = arith.constant 0 : index
    %get3A_22 = arith.constant 0 : index
    %get3A_23 = vector.load %arg6[%get3A_21, %get3A_22] : memref<512x128xbf16, #tpu.memory_space<vmem>>, vector<512x128xbf16>
    %dot_general3A_24 = arith.constant dense<0.000000e+00> : vector<8000x128xf32>
    %dot_general3A_25 = tpu.matmul %select_n3A, %get3A_23, %dot_general3A_24 {dimension_numbers = #tpu.dot_dimension_numbers<[1], [0], [0], [1], [0, 0, 1, 1], [], []>, transpose_lhs_hint = false} : vector<8000x512xbf16>, vector<512x128xbf16>, vector<8000x128xf32> -> vector<8000x128xf32>
    %add3A = arith.addf %dot_general3A_6, %dot_general3A_25 : vector<8000x128xf32>
    %get3A_26 = arith.constant 0 : index
    %get3A_27 = arith.constant 0 : index
    %get3A_28 = vector.load %arg2[%get3A_26, %get3A_27] : memref<8000x128xf32, #tpu.memory_space<vmem>>, vector<8000x128xf32>
    %add3A_29 = arith.addf %add3A, %get3A_28 : vector<8000x128xf32>
    %get3A_30 = arith.constant 0 : index
    %get3A_31 = arith.constant 0 : index
    %get3A_32 = vector.load %arg7[%get3A_30, %get3A_31] : memref<1x128xf32, #tpu.memory_space<vmem>>, vector<1x128xf32>
    %add3A_33 = vector.broadcast %get3A_32 : vector<1x128xf32> to vector<8000x128xf32>
    %add3A_34 = arith.addf %add3A_29, %add3A_33 : vector<8000x128xf32>
    %mul3A = arith.constant 2.500000e-01 : f32
    %mul3A_35 = vector.broadcast %mul3A : f32 to vector<8000x128xf32>
    %mul3A_36 = arith.mulf %add3A_34, %mul3A_35 : vector<8000x128xf32>
    %swap3A = arith.constant 0 : index
    %swap3A_37 = arith.constant 0 : index
    %swap3A_38 = vector.load %arg8[%swap3A, %swap3A_37] : memref<8000x128xf32, #tpu.memory_space<vmem>>, vector<8000x128xf32>
    tpu.vector_store %arg8[%swap3A, %swap3A_37], %mul3A_36 {strides = array<i32>} : memref<8000x128xf32, #tpu.memory_space<vmem>>, vector<8000x128xf32>,
    return
  }
  func.func @transform_0(%arg0: i32) -> (i32, i32) {
    %c0_i32 = arith.constant 0 : i32
    %c0_i32_0 = arith.constant 0 : i32
    return %arg0, %c0_i32 : i32, i32
  }
  func.func @transform_1(%arg0: i32) -> (i32, i32) {
    %c0_i32 = arith.constant 0 : i32
    %c0_i32_0 = arith.constant 0 : i32
    return %arg0, %c0_i32 : i32, i32
  }
  func.func @transform_2(%arg0: i32) -> (i32, i32, i32) {
    %c0_i32 = arith.constant 0 : i32
    %c0_i32_0 = arith.constant 0 : i32
    %c0_i32_1 = arith.constant 0 : i32
    return %arg0, %c0_i32, %c0_i32_0 : i32, i32, i32
  }
  func.func @transform_3(%arg0: i32) -> (i32, i32) {
    %c0_i32 = arith.constant 0 : i32
    %c0_i32_0 = arith.constant 0 : i32
    %c0_i32_1 = arith.constant 0 : i32
    return %c0_i32, %c0_i32_0 : i32, i32
  }
  func.func @transform_4(%arg0: i32) -> (i32, i32) {
    %c0_i32 = arith.constant 0 : i32
    %c0_i32_0 = arith.constant 0 : i32
    %c0_i32_1 = arith.constant 0 : i32
    return %c0_i32, %c0_i32_0 : i32, i32
  }
  func.func @transform_5(%arg0: i32) -> (i32, i32) {
    %c0_i32 = arith.constant 0 : i32
    %c0_i32_0 = arith.constant 0 : i32
    %c0_i32_1 = arith.constant 0 : i32
    return %c0_i32, %c0_i32_0 : i32, i32
  }
  func.func @transform_6(%arg0: i32) -> (i32, i32) {
    %c0_i32 = arith.constant 0 : i32
    %c0_i32_0 = arith.constant 0 : i32
    %c0_i32_1 = arith.constant 0 : i32
    return %c0_i32, %c0_i32_0 : i32, i32
  }
  func.func @transform_7(%arg0: i32) -> (i32, i32) {
    %c0_i32 = arith.constant 0 : i32
    %c0_i32_0 = arith.constant 0 : i32
    return %arg0, %c0_i32 : i32, i32
  }
}

</mosaic_0001>

<sc_bundles>
// kernel: kernel.4.cloned.1.call-start
scs
__scs_entry_jumppad:
0x0: {  	(pc) =	sbr.rel $0x88, $3  }
0x1: {  	(tag) =	ssettag $0x0;
	lr =	simm.s32 $0x1  }
0x2: {  	[smem:$0x3F99] =	sst lr;
	_ =	strace $0xD0000000  }
0x3: {  	_ = 	snop  }
0x4: {  	_ = 	snop  }
0x5: {  	_ = 	snop  }
0x6: {  	_ = 	snop  }
0x7: {  	_ = 	snop  }
__scs_overlays_trampoline_lowered:
0x8: {  	[smem:$0x3FA8] =	sst s0  }
0x9: {  	[smem:$0x3FA9] =	sst s1  }
0xa: {  	[smem:$0x3FAA] =	sst s2  }
0xb: {  	[smem:$0x3FAB] =	sst s3  }
0xc: {  	[smem:$0x3FAC] =	sst s4  }
0xd: {  	[smem:$0x3FAD] =	sst s5  }
0xe: {  	[smem:$0x3FAE] =	sst s6  }
0xf: {  	[smem:$0x3FAF] =	sst s7  }
0x10: {  	[smem:$0x3FB0] =	sst s8  }
0x11: {  	[smem:$0x3FB1] =	sst s9;
	s0 =	simm.s32 @!p0 $0x0  }
0x12: {  	s1 =	sld [smem:$0x3F97];
	s0 =	simm.s32 @p0 $0x1  }
0x13: {  	[smem:$0x3FB2] =	sst s0;
	s0 =	simm.s32 @!p1 $0x0  }
0x14: {  	s2 =	sld [smem:$0x3F96];
	s0 =	simm.s32 @p1 $0x1  }
0x15: {  	[smem:$0x3FB3] =	sst s0;
	s0 =	simm.s32 @!p2 $0x0  }
0x16: {  	s3 =	sld [smem:$0x3FDB];
	s0 =	simm.s32 @p2 $0x1  }
0x17: {  	s4 =	simm.s32 $0x1BF5;
	[smem:$0x3FB5] =	sst s0  }
0x18: {  	s0 =	sld [smem:$0x3F98];
	_ =	swait.ge [sflag:s4], $0x0  }
0x19: {  	s7 =	sld [smem:$0x3F99]  }
0x1a: {  	s8 =	sadd.s32 $0xFFFFE003, lr  }
0x1b: {  	s9 =	sadd.s32 $0xFFFFFEF7, lr;
	s5 =	simm.s32 $0xFFFFFFFF;
	p2 =	slt.u32 s8, $0xFFFFF086  }
0x1c: {  	p1 =	slt.u32 s9, $0xF7A;
	s5 =	simm.s32 @!p2 $0x0  }
0x1d: {  	s5 =	simm.s32 @p1 $0x1;
	p0 =	seq.s32 s7, s2  }
0x1e: {  	s7 =	smul.u32 @!p0 $0xF7A, s2;
	p2 =	seq.s32 @!p0 s5, $0x0  }
0x1f: {  	s9 =	smul.u32 $0xF7A, s1;
	s8 =	simm.s32 @!p0 $0x1BF5;
	p2 =	por !p2, p0  }
0x20: {  	[sflag:s8] =	ssyncset.s32 @!p0 $0xFFFFF086;
	s6 =	sadd.s32 @!p0 s3, s7;
	s7 =	simm.s32 @!p0 $0x108  }
0x21: {  	s3 =	sadd.s32 s3, s9;
	s6 =	sadd.s32 @!p0 $0x88, s6;
	s7 =	simm.s32 @p2 $0x1082  }
0x22: {  	[simem:s7], [sflag:s8] =	dma.local @!p0 [hbm:s6], $0xF7A  }
0x23: {  	s9 =	sor.u32 $0xD0000000, s2;
	s6 =	simm.s32 $0x108;
	_ =	swait.ge @!p0 [sflag:s8], $0x0  }
0x24: {  	s3 =	sadd.s32 $0x88, s3;
	s6 =	simm.s32 @!p1 $0x1082;
	[sflag:s4] =	ssyncset.s32 $0xFFFFF086  }
0x25: {  	[simem:s6], [sflag:s4] =	dma.local [hbm:s3], $0xF7A  }
0x26: {  	[smem:$0x3F99] =	sst s1;
	(tag) =	ssettag s2;
	_ =	strace s9  }
0x27: {  	s1 =	sld [smem:$0x3FA9]  }
0x28: {  	s2 =	sld [smem:$0x3FAA]  }
0x29: {  	s4 =	sld [smem:$0x3FAC]  }
0x2a: {  	p0 =	seq.s32 s5, $0x0;
	s5 =	sld [smem:$0x3FAD]  }
0x2b: {  	s6 =	sld [smem:$0x3FAE]  }
0x2c: {  	s7 =	sld [smem:$0x3FAF]  }
0x2d: {  	s3 =	simm.s32 $0x108;
	s8 =	sld [smem:$0x3FB0]  }
0x2e: {  	s3 =	simm.s32 @!p0 $0x1082;
	s9 =	sld [smem:$0x3FB1]  }
0x2f: {  	lr =	sadd.s32 s0, s3;
	s0 =	sld [smem:$0x3FA8]  }
0x30: {  	s3 =	sld [smem:$0x3FAB]  }
0x31: {  	[smem:$0x3FB4] =	sst s10  }
0x32: {  	s10 =	sld [smem:$0x3FB2];
	_ =	sdelay $0x3  }
0x33: {  	p0 =	seq.s32 s10, $0x1;
	s10 =	sld [smem:$0x3FB4];
	_ =	sdelay $0x3  }
0x34: {  	[smem:$0x3FB4] =	sst s10  }
0x35: {  	s10 =	sld [smem:$0x3FB3];
	_ =	sdelay $0x3  }
0x36: {  	p1 =	seq.s32 s10, $0x1;
	s10 =	sld [smem:$0x3FB4];
	_ =	sdelay $0x3  }
0x37: {  	[smem:$0x3FB4] =	sst s10  }
0x38: {  	s10 =	sld [smem:$0x3FB5]  }
0x39: {  	_ = 	snop;
	(pc) =	sbr.ind lr, $3  }
0x3a: {  	_ = 	snop  }
0x3b: {  	_ = 	snop  }
0x3c: {  	p2 =	seq.s32 s10, $0x1;
	s10 =	sld [smem:$0x3FB4]  }
0x3d: {  	_ =	shalt  }
0x3e: {  	_ =	shalt  }
0x3f: {  	_ =	shalt  }
0x40: {  	_ =	shalt  }
0x41: {  	_ =	shalt  }
0x42: {  	_ =	shalt  }
0x43: {  	_ =	shalt  }
0x44: {  	_ =	shalt  }
0x45: {  	_ =	shalt  }
0x46: {  	_ =	shalt  }
0x47: {  	_ =	shalt  }
0x48: {  	_ =	shalt  }
0x49: {  	_ =	shalt  }
0x4a: {  	_ =	shalt  }
0x4b: {  	_ =	shalt  }
0x4c: {  	_ =	shalt  }
0x4d: {  	_ =	shalt  }
0x4e: {  	_ =	shalt  }
0x4f: {  	_ =	shalt  }
0x50: {  	_ =	shalt  }
0x51: {  	_ =	shalt  }
0x52: {  	_ =	shalt  }
0x53: {  	_ =	shalt  }
0x54: {  	_ =	shalt  }
0x55: {  	_ =	shalt  }
0x56: {  	_ =	shalt  }
0x57: {  	_ =	shalt  }
0x58: {  	_ =	shalt  }
0x59: {  	_ =	shalt  }
0x5a: {  	_ =	shalt  }
0x5b: {  	_ =	shalt  }
0x5c: {  	_ =	shalt  }
0x5d: {  	_ =	shalt  }
0x5e: {  	_ =	shalt  }
0x5f: {  	_ =	shalt  }
0x60: {  	_ =	shalt  }
0x61: {  	_ =	shalt  }
0x62: {  	_ =	shalt  }
0x63: {  	_ =	shalt  }
0x64: {  	_ =	shalt  }
0x65: {  	_ =	shalt  }
0x66: {  	_ =	shalt  }
0x67: {  	_ =	shalt  }
0x68: {  	_ =	shalt  }
0x69: {  	_ =	shalt  }
0x6a: {  	_ =	shalt  }
0x6b: {  	_ =	shalt  }
0x6c: {  	_ =	shalt  }
0x6d: {  	_ =	shalt  }
0x6e: {  	_ =	shalt  }
0x6f: {  	_ =	shalt  }
0x70: {  	_ =	shalt  }
0x71: {  	_ =	shalt  }
0x72: {  	_ =	shalt  }
0x73: {  	_ =	shalt  }
0x74: {  	_ =	shalt  }
0x75: {  	_ =	shalt  }
0x76: {  	_ =	shalt  }
0x77: {  	_ =	shalt  }
0x78: {  	_ =	shalt  }
0x79: {  	_ =	shalt  }
0x7a: {  	_ =	shalt  }
0x7b: {  	_ =	shalt  }
0x7c: {  	_ =	shalt  }
0x7d: {  	_ =	shalt  }
0x7e: {  	_ =	shalt  }
0x7f: {  	_ =	shalt  }
0x80: {  	_ =	shalt  }
0x81: {  	_ =	shalt  }
0x82: {  	_ =	shalt  }
0x83: {  	_ =	shalt  }
0x84: {  	_ =	shalt  }
0x85: {  	_ =	shalt  }
0x86: {  	_ =	shalt  }
0x87: {  	_ =	shalt  }
.Lfunc_end0:
.L_simem_size_0:
called_computation_lowered:
.L_overlay_start_0:
0x88: {  	s2 =	sld [smem:$0x3FD9]  }
0x89: {  	s3 =	sld [smem:$0x3FFE];
	_ =	sdelay $0x1  }
0x8a: {  	s1 =	srdreg.scid  }
0x8b: {  	s0 =	sand.u32 $0x1, s1  }
0x8c: {  	s17 =	sshll.u32 s0, $0xA;
	s2 =	sadd.s32 s3, s2  }
0x8d: {  	s2 =	sadd.s32 s2, s17  }
0x8e: {  	[smem:$0x3FC0] =	sst s2  }
0x8f: {  	_ = 	snop  }
0x90: {  	s2 =	sld [smem:$0x3FC8]  }
0x91: {  	s18 =	sld [smem:$0x3FC4];
	(tm) =	ssettm $0x1  }
0x92: {  	s4 =	sld [smem:$0x3FFB];
	_ =	sdelay $0x3  }
0x93: {  	_ =	strace s4  }
0x94: {  	s4 =	sld [smem:$0x3FFC];
	_ =	sdelay $0x3  }
0x95: {  	_ =	strace s4  }
0x96: {  	s4 =	sld [smem:$0x3FFD];
	_ =	sdelay $0x3  }
0x97: {  	_ =	strace s4  }
0x98: {  	_ =	strace $0x8FFFFFFF  }
0x99: {  	s19 =	sld [smem:$0x3FDB];
	_ =	sdelay $0x1  }
0x9a: {  	s5 =	simm.s32 $_scs_section_size  }
0x9b: {  	s6 =	simm.s32 $_size__tile_overlayer_lowered;
	s7 =	simm.s32 $_tile_overlayer_lowered  }
0x9c: {  	s22 =	simm.s32 $0x1BFF;
	s21 =	sshll.u32 s7, $0x1;
	s4 =	sadd.s32 s5, s19  }
0x9d: {  	s8 =	simm.s32 $0x0;
	s20 =	sshll.u32 s6, $0x1;
	s6 =	sadd.s32 s21, s4  }
0x9e: {  	[timem:s8], [sflag:s22] =	dma.local [hbm:s6], s20  }
0x9f: {  	_ =	swait.ge [sflag:s22], s20  }
0xa0: {  	s5 =	ssub.s32 $0x0, s20;
	[sflag:s22] =	ssyncset.done $0x0  }
0xa1: {  	[sflag:s22] =	ssyncadd.s32 s5;
	_ =	sdelay $0x1  }
0xa2: {  	s23 =	simm.s32 $0x1B8B  }
0xa3: {  	_ =	swait.ge [sflag:s23], $0x1  }
0xa4: {  	[sflag:s23] =	ssyncset.done $0x0  }
0xa5: {  	s25 =	simm.s32 $0x1B8E;
	s24 =	sld [smem:$0x3FFE];
	[sflag:s23] =	ssyncadd.s32 $0xFFFFFFFF  }
0xa6: {  	s26 =	simm.s32 $execute0_lowered;
	[smem:$0x3FD2] =	sst s25  }
0xa7: {  	s6 =	sshll.u32 s26, $0x1;
	_ =	strace $0x80000046;
	[dreg:$0x1] =	wrdreg $0xFFFFFFFF  }
0xa8: {  	s28 =	simm.s32 $_size_execute0_lowered;
	s4 =	sadd.s32 s4, s6;
	[dreg:$0x0] =	wrdreg $0x0  }
0xa9: {  	s6 =	sshll.u32 s28, $0x1;
	[dreg:$0x2] =	wrdreg s4  }
0xaa: {  	[dreg:$0x3] =	wrdreg s6  }
0xab: {  	[dreg:$0x4] =	wrdreg $0xC0  }
0xac: {  	_ =	task [dreg:s8], $0x5FFFF  }
0xad: {  	[dreg:$0x1] =	wrdreg $0xFFFFFFFF  }
0xae: {  	[dreg:$0x0] =	wrdreg $0x60  }
0xaf: {  	[dreg:$0x2] =	wrdreg s2  }
0xb0: {  	[dreg:$0x3] =	wrdreg s18  }
0xb1: {  	[dreg:$0x4] =	wrdreg s24  }
0xb2: {  	[dreg:$0x5] =	wrdreg $0x9  }
0xb3: {  	_ =	task.clear_ibuf [dreg:s8], $0x6FFFF;
	_ =	strace $0x90000046  }
0xb4: {  	s29 =	simm.s32 $0x9;
	_ =	strace $0x80000048  }
0xb5: {  	_ =	swait.ge [sflag:s29], $0x1  }
0xb6: {  	[sflag:s29] =	ssyncadd.s32 $0xFFFFFFFF  }
0xb7: {  	_ =	strace $0x90000048  }
0xb8: {  	_ =	sfence  }
0xb9: {  	s30 =	sld [smem:$0x0];
	_ =	sdelay $0x2  }
0xba: {  	s31 =	sshll.u32 s1, $0xD;
	s1 =	sshrl.u32 s1, $0x2  }
0xbb: {  	s3 =	sand.u32 $0x4000, s31;
	s1 =	sadd.s32 s1, s30  }
0xbc: {  	s0 =	sor.u32 s3, s0;
	s1 =	sshll.u32 s1, $0x11  }
0xbd: {  	s0 =	sor.u32 s1, s0  }
0xbe: {  	s0 =	sadd.s32 $0x8F2B, s0  }
0xbf: {  	[sflag:s0] =	ssyncadd.remote.s32 $0x1  }
0xc0: {  	_ =	sfence.sel $0xFFFF  }
0xc1: {  	[dreg:$0x0] =	wrdreg $0xFFFFFFFF;
	(pc) =	sbr.abs _section_cstart, $3  }
0xc2: {  	[dreg:$0x1] =	wrdreg $0xFFFFFFFF  }
0xc3: {  	_ =	task.clear_ibuf [dreg:s8], $0x2FFFF;
	_ =	strace $0x9FFFFFFF  }
0xc4: {  	(tm) =	ssettm $0x7FFFFFFF  }
0xc5: {  	_ =	shalt  }
tec
execute0_lowered:
.L_overlay_start_1:
0x0: {  	(tag) =	ssettag $0x1  }
0x1: {  	s1 =	rddreg [dreg:$0x0]  }
0x2: {  	s0 =	stileid.u32;
	s6 =	rddreg [dreg:$0x1]  }
0x3: {  	s2 =	srdreg.scid;
	s7 =	rddreg [dreg:$0x2]  }
0x4: {  	s3 =	simm.s32 $0x0;
	s11 =	simm.s32 $0x0;
	s4 =	smul.u32 $0x4E200, s0  }
0x5: {  	s5 =	sand.u32 $0x1, s2;
	s2 =	rddreg [dreg:$0x3];
	s9 =	smul.u32 $0x4E20, s0  }
0x6: {  	[smem:$0x7FF] =	sst s3;
	s8 =	smul.u32 $0x27100, s5;
	s10 =	ssub.s32 $0x2, s5  }
0x7: {  	s5 =	smul.u32 $0x2710, s5;
	s4 =	sadd.s32 s4, s7;
	s30 =	sshrl.u32 s10, $0x1  }
0x8: {  	_ =	strace $0x80000047;
	s7 =	ssub.s32 s10, s30;
	s8 =	sadd.s32 s8, s4  }
0x9: {  	s9 =	sadd.s32 s5, s9;
	s10 =	simm.s32 $0x1;
	s4 =	smax.u32 s7, $0x1  }
0xa: {  	s5 =	sadd.s32 $0xE00, s8;
	s31 =	sshrl.u32 s9, $0x3;
	s7 =	simm.s32 $0x2  }
0xb: {  	s8 =	simm.s32 $0x190;
	s9 =	simm.s32 $0x200;
	s6 =	sadd.s32 s31, s6  }
.LBB2_1:
0xc: {  	s12 =	sadd.s32 $0x0, s6  }
0xd: {  	[tilespmem:s3], [sflag:$0x2] =	stream.linear.gather [hbm4b:s12+s3], $0x190, $0x38;
	[tilespmem:$0xCA00] =	vst v63  }
0xe: {  	_ =	swait.ge [sflag:s7], $0x190  }
0xf: {  	[sflag:s7] =	ssyncset.done $0x0  }
0x10: {  	[sflag:s7] =	ssyncadd.s32 $0xFFFFFE70  }
0x11: {  	[tilespmem:s9], [sflag:$0x1] =	stream.indirect.gather [hbm4b:s1+s8], $0x80, s3, s8, $0xb8;
	[tilespmem:$0xCA00] =	vst v63  }
0x12: {  	_ =	swait.ge [sflag:s10], $0xC800  }
0x13: {  	[sflag:s10] =	ssyncset.done $0x0  }
0x14: {  	[sflag:s10] =	ssyncadd.s32 $0xFFFF3800  }
0x15: {  	[hbm4b:s5+s3] =	stream.linear.scatter [tilespmem:s9], [sflag:$0x2], $0xC800, $0x38;
	[tilespmem:$0xCA00] =	vst v63  }
0x16: {  	s13 =	simm.s32 $0x32;
	_ =	swait.ge [sflag:s7], $0xC800  }
0x17: {  	s14 =	simm.s32 $0x64;
	s12 =	sadd.s32 $0x1900, s5;
	[sflag:s7] =	ssyncset.done $0x0  }
.LBB2_2:
0x18: {  	s15 =	sadd.s32 s13, s6  }
0x19: {  	[sflag:s7] =	ssyncadd.s32 $0xFFFF3800;
	s13 =	smov.u32 s14;
	s16 =	sadd.s32 $0x32, s14  }
0x1a: {  	[tilespmem:s3], [sflag:$0x2] =	stream.linear.gather [hbm4b:s15+s3], $0x190, $0x38;
	[tilespmem:$0xCA00] =	vst v63  }
0x1b: {  	p0 =	sne.s32 s14, $0x4B0;
	_ =	swait.ge [sflag:s7], $0x190  }
0x1c: {  	[sflag:s7] =	ssyncset.done $0x0  }
0x1d: {  	[sflag:s7] =	ssyncadd.s32 $0xFFFFFE70  }
0x1e: {  	[tilespmem:s9], [sflag:$0x1] =	stream.indirect.gather [hbm4b:s1+s8], $0x80, s3, s8, $0xb8;
	[tilespmem:$0xCA00] =	vst v63  }
0x1f: {  	_ =	swait.ge [sflag:s10], $0xC800  }
.Ltmp0:
0x20: {  	[sflag:s10] =	ssyncset.done $0x0;
	(pc) =	sbr.rel @p0 .LBB2_2-.Ltmp0, $4  }
0x21: {  	[sflag:s10] =	ssyncadd.s32 $0xFFFF3800  }
0x22: {  	[hbm4b:s12+s3] =	stream.linear.scatter [tilespmem:s9], [sflag:$0x2], $0xC800, $0x38;
	[tilespmem:$0xCA00] =	vst v63  }
0x23: {  	_ =	swait.ge [sflag:s7], $0xC800  }
0x24: {  	s14 =	smov.u32 s16;
	s12 =	sadd.s32 $0x1900, s12;
	[sflag:s7] =	ssyncset.done $0x0  }
0x25: {  	s13 =	sadd.s32 s13, s6;
	[sflag:s7] =	ssyncadd.s32 $0xFFFF3800  }
0x26: {  	[tilespmem:s3], [sflag:$0x2] =	stream.linear.gather [hbm4b:s13+s3], $0x190, $0x38;
	[tilespmem:$0xCA00] =	vst v63  }
0x27: {  	_ =	swait.ge [sflag:s7], $0x190  }
0x28: {  	[sflag:s7] =	ssyncset.done $0x0  }
0x29: {  	[sflag:s7] =	ssyncadd.s32 $0xFFFFFE70  }
0x2a: {  	[tilespmem:s9], [sflag:$0x1] =	stream.indirect.gather [hbm4b:s1+s8], $0x80, s3, s8, $0xb8;
	[tilespmem:$0xCA00] =	vst v63  }
0x2b: {  	s11 =	sadd.s32 $0x1, s11;
	_ =	swait.ge [sflag:s10], $0xC800  }
0x2c: {  	p0 =	sne.s32 s11, s4;
	[sflag:s10] =	ssyncset.done $0x0  }
.Ltmp1:
0x2d: {  	[sflag:s10] =	ssyncadd.s32 $0xFFFF3800;
	(pc) =	sbr.rel @p0 .LBB2_1-.Ltmp1, $4  }
0x2e: {  	[hbm4b:s12+s3] =	stream.linear.scatter [tilespmem:s9], [sflag:$0x2], $0xC800, $0x38;
	[tilespmem:$0xCA00] =	vst v63  }
0x2f: {  	_ =	swait.ge [sflag:s7], $0xC800  }
0x30: {  	[sflag:s7] =	ssyncset.done $0x0  }
0x31: {  	[sflag:s7] =	ssyncadd.s32 $0xFFFF3800  }
0x32: {  	_ =	sfence.sel $0x180000  }
0x33: {  	[bflag:$0x0] =	sbarrier.arrive $0xFFFF  }
0x34: {  	p0 =	sne.s32 s0, $0x0;
	_ =	strace $0x90000047  }
0x35: {  	s0 =	sadd.s32 @!p0 $0x100000, s2;
	[bflag:$0x2] =	sbarrier.arrive $0xFFFF  }
0x36: {  	[sflag:s0] =	ssyncadd.tile.s32 @!p0 $0x1;
	_ =	shalt  }
.Lfunc_end2:
_tile_overlayer_lowered:
.L_overlay_start_2:
0x37: {  	(tag) =	ssettag $0x2  }
0x38: {  	s0 =	rddreg [dreg:$0x0];
	s2 =	stileid.u32  }
0x39: {  	s1 =	rddreg [dreg:$0x1];
	p0 =	sne.s32 s2, $0x0  }
0x3a: {  	s3 =	rddreg [dreg:$0x2];
	[bflag:$0x3] =	sbarrier.arrive $0xFFFF;
	s2 =	simm.s32 @!p0 $0x1C02  }
0x3b: {  	[timem:s3], [sflag:s2] =	dma.local @!p0 [hbm:s0], s1  }
0x3c: {  	s0 =	simm.s32 @!p0 $0x2  }
0x3d: {  	_ =	swait.ge @!p0 [sflag:s0], s1  }
0x3e: {  	s1 =	ssub.s32 @!p0 $0x0, s1;
	[sflag:s0] =	ssyncset.done @!p0 $0x0  }
0x3f: {  	[sflag:s0] =	ssyncadd.s32 @!p0 s1  }
0x40: {  	[bflag:$0x3] =	sbarrier.arrive $0xFFFF  }
0x41: {  	_ =	shalt  }

</sc_bundles>
